<compile_context>
chip_gen: v7x
topology: tpu7x:2x2x1
jax: 0.10.2.dev20260603
libtpu: 0.0.44.dev20260713+nightly
codegen_flags: <defaults>
</compile_context>

<pallas_src>
import functools

import jax
import jax.numpy as jnp
from jax import lax
from jax.experimental import pallas as pl
from jax.experimental.pallas import tpu as pltpu
from jax.experimental.pallas import tpu_sc as plsc

NC = 2
NS = 16
L = 16
NW = NC * NS

VOCAB = 1000000
NUM_IDX = 16384
EMBED = 64
PER_W = NUM_IDX // NW
CHUNK = 128
NCHUNK = PER_W // CHUNK


def _sc_counts(idx3, zeros_hbm):
    mesh = plsc.VectorSubcoreMesh(core_axis_name="c", subcore_axis_name="s")

    @functools.partial(
        pl.kernel,
        out_type=(
            jax.ShapeDtypeStruct((VOCAB,), jnp.float32),
            jax.ShapeDtypeStruct((VOCAB,), jnp.float32),
        ),
        mesh=mesh,
        scratch_types=[
            pltpu.VMEM((NCHUNK, CHUNK), jnp.int32),
            pltpu.VMEM((CHUNK,), jnp.float32),
            pltpu.VMEM_SHARED((VOCAB,), jnp.float32),
        ],
    )
    def k(idx_hbm, z_hbm, out0, out1, idx_v, ones_v, counts_s):
        cid = lax.axis_index("c")
        sid = lax.axis_index("s")
        wid = sid * NC + cid
        pltpu.sync_copy(idx_hbm.at[wid], idx_v)
        for i in range(CHUNK // L):
            ones_v[pl.ds(i * L, L)] = jnp.ones((L,), jnp.float32)

        @pl.when(sid == 0)
        def _():
            pltpu.sync_copy(z_hbm, counts_s)

        plsc.subcore_barrier()
        for j in range(NCHUNK):
            pltpu.sync_copy(ones_v, counts_s.at[idx_v.at[j]], add=True)
        plsc.subcore_barrier()

        @pl.when(jnp.logical_and(sid == 0, cid == 0))
        def _():
            pltpu.sync_copy(counts_s, out0)

        @pl.when(jnp.logical_and(sid == 0, cid == 1))
        def _():
            pltpu.sync_copy(counts_s, out1)

    return k(idx3, zeros_hbm)


BL = 32768
STEPS = -(-VOCAB // BL)
NPAD = STEPS * BL


def _tc_bag_matvec(tableT, counts_pad):

    def body(n_ref, t_ref, o_ref):
        s = pl.program_id(0)

        @pl.when(s == 0)
        def _():
            o_ref[...] = jnp.zeros_like(o_ref)

        lane = s * BL + lax.broadcasted_iota(jnp.int32, (1, BL), 1)
        t = jnp.where(lane < VOCAB, t_ref[...], 0.0)
        n = n_ref[pl.ds(s * BL, BL)]
        o_ref[...] += t * n[None, :]

    return pl.pallas_call(
        body,
        grid=(STEPS,),
        in_specs=[
            pl.BlockSpec((NPAD,), lambda s: (0,)),
            pl.BlockSpec((EMBED, BL), lambda s: (0, s)),
        ],
        out_specs=pl.BlockSpec((EMBED, BL), lambda s: (0, 0)),
        out_shape=jax.ShapeDtypeStruct((EMBED, BL), jnp.float32),
    )(counts_pad, tableT)


def _tc_mlp(acc, W1, b1, W2, b2):

    def body(p_ref, w1_ref, b1_ref, w2_ref, b2_ref, o_ref):
        s = jnp.sum(p_ref[...], axis=1, keepdims=True)
        h = lax.dot_general(
            w1_ref[...], s, (((1,), (0,)), ((), ())),
            precision=lax.Precision.DEFAULT,
            preferred_element_type=jnp.float32,
        )
        h = jnp.maximum(h + b1_ref[...], 0.0)
        h_r = h.astype(jnp.bfloat16).astype(jnp.float32)
        w2_r = w2_ref[...].astype(jnp.bfloat16).astype(jnp.float32)
        o_ref[0, 0] = jnp.sum(h_r * w2_r) + b2_ref[0, 0]

    return pl.pallas_call(
        body,
        out_shape=jax.ShapeDtypeStruct((1, 1), jnp.float32),
        in_specs=[
            pl.BlockSpec(memory_space=pltpu.VMEM),
            pl.BlockSpec(memory_space=pltpu.VMEM),
            pl.BlockSpec(memory_space=pltpu.VMEM),
            pl.BlockSpec(memory_space=pltpu.VMEM),
            pl.BlockSpec(memory_space=pltpu.SMEM),
        ],
        out_specs=pl.BlockSpec(memory_space=pltpu.SMEM),
    )(acc, W1, b1.reshape(-1, 1), W2.reshape(-1, 1), b2.reshape(1, 1))


def kernel(indices, table, W1, b1, W2, b2):
    idx3 = indices.astype(jnp.int32).reshape(NW, NCHUNK, CHUNK)
    zeros = jnp.zeros((VOCAB,), jnp.float32)
    c0, c1 = _sc_counts(idx3, zeros)
    counts_pad = jnp.pad(c0 + c1, (0, NPAD - VOCAB))
    acc = _tc_bag_matvec(table.T, counts_pad)
    out = _tc_mlp(acc, W1, b1, W2, b2)
    return out.reshape(1)

# --- scband reference (transcript-rebuilt; emitter-appended) ---
"""Pipeline reference for scband-bag-of-words-4037269258316 (READ-ONLY COPY).

The authoritative reference and input builder live on the scoring server;
editing this copy changes nothing except your own understanding.
"""

import jax, jax.numpy as jnp
import numpy as np

VOCAB = 1000000
EMBED = 64
HIDDEN = 128
NUM_IDX = 16384


def setup_inputs(seed: int = 0) -> dict:
    key = jax.random.key(seed)
    k1, k2, k3, k4, k5, k6 = jax.random.split(key, 6)
    indices = jax.random.randint(k1, (NUM_IDX,), 0, VOCAB, dtype=jnp.int64) if jax.config.jax_enable_x64 else jax.random.randint(k1, (NUM_IDX,), 0, VOCAB, dtype=jnp.int32)
    table = jax.random.normal(k2, (VOCAB, EMBED), dtype=jnp.float32)
    W1 = jax.random.normal(k3, (HIDDEN, EMBED), dtype=jnp.float32) * 0.05
    b1 = jax.random.normal(k4, (HIDDEN,), dtype=jnp.float32) * 0.05
    W2 = jax.random.normal(k5, (1, HIDDEN), dtype=jnp.float32) * 0.05
    b2 = jax.random.normal(k6, (1,), dtype=jnp.float32) * 0.05
    return {"indices": indices, "table": table, "W1": W1, "b1": b1, "W2": W2, "b2": b2}


def reference(indices, table, W1, b1, W2, b2):
    # embedding lookup: [L, EMBED]
    emb = jnp.take(table, indices, axis=0)
    # python sum(tensor) sums over dim 0 -> [EMBED]; view(1, -1) -> [1, EMBED]
    summed = jnp.sum(emb, axis=0).reshape(1, -1)
    # linear1 (torch: x @ W.T + b) + ReLU -> [1, 128]
    h = jax.nn.relu(summed @ W1.T + b1)
    # squeeze(0) -> [128]; linear2 -> [1]
    out = h.squeeze(0) @ W2.T + b2
    return out

if __name__ == "__main__":
    import jax
    _d = setup_inputs()
    print(jax.jit(kernel)(*tuple(_d.values())))

</pallas_src>

<mosaic_0001>
#map = affine_map<(d0, d1) -> (0, 0, 0)>
#map1 = affine_map<(d0, d1) -> (0)>
module attributes {stable_mosaic.version = 14 : i64} {
  func.func @k(%arg0: i32, %arg1: i32, %arg2: memref<32x4x128xi32, #tpu.memory_space<hbm>>, %arg3: memref<1000000xf32, #tpu.memory_space<hbm>>, %arg4: memref<1000000xf32, #tpu.memory_space<hbm>>, %arg5: memref<1000000xf32, #tpu.memory_space<hbm>>, %arg6: memref<4x128xi32, #tpu.memory_space<vmem>>, %arg7: memref<128xf32, #tpu.memory_space<vmem>>, %arg8: memref<1000000xf32, #tpu.memory_space<vmem_shared>>) attributes {dimension_semantics = [#tpu.dimension_semantics<core_parallel>, #tpu.dimension_semantics<subcore_parallel>], iteration_bounds = array<i64: 2, 16>, scalar_prefetch = 0 : i64, scratch_operands = 3 : i64, tpu.core_type = #tpu.core_type<sc_vector_subcore>, window_params = [{transform_indices = #map}, {transform_indices = #map1}, {transform_indices = #map1}, {transform_indices = #map1}]} {
    %mul3A = arith.constant 2 : i32
    %mul3A_0 = arith.muli %arg1, %mul3A : i32
    %add3A = arith.addi %mul3A_0, %arg0 : i32
    "tpu.region"() ({
      %run_scoped3A_68 = tpu.sem_alloc : memref<!tpu.dma_semaphore, #tpu.memory_space<semaphore_mem>>
      %dma_start3A = arith.constant 0 : i32
      %dma_start3A_69 = arith.constant 0 : i32
      %dma_start3A_70 = tpu.memref_slice %arg2[%add3A, %dma_start3A, %dma_start3A_69] : memref<32x4x128xi32, #tpu.memory_space<hbm>> -> memref<1x4x128xi32, #tpu.memory_space<hbm>>
      %dma_start3A_71 = tpu.memref_squeeze %dma_start3A_70 : memref<1x4x128xi32, #tpu.memory_space<hbm>> -> memref<4x128xi32, #tpu.memory_space<hbm>>
      %dma_start3A_72 = arith.constant 0 : i32
      %dma_start3A_73 = arith.constant 0 : i32
      %dma_start3A_74 = tpu.memref_slice %arg2[%add3A, %dma_start3A_72, %dma_start3A_73] : memref<32x4x128xi32, #tpu.memory_space<hbm>> -> memref<1x4x128xi32, #tpu.memory_space<hbm>>
      %dma_start3A_75 = tpu.memref_squeeze %dma_start3A_74 : memref<1x4x128xi32, #tpu.memory_space<hbm>> -> memref<4x128xi32, #tpu.memory_space<hbm>>
      tpu.enqueue_dma source(%dma_start3A_75 : memref<4x128xi32, #tpu.memory_space<hbm>>) target(%arg6 : memref<4x128xi32, #tpu.memory_space<vmem>>) target_semaphore(%run_scoped3A_68 : memref<!tpu.dma_semaphore, #tpu.memory_space<semaphore_mem>>)
      %dma_wait3A = arith.constant 0 : i32
      %dma_wait3A_76 = arith.constant 0 : i32
      %dma_wait3A_77 = tpu.memref_slice %arg2[%add3A, %dma_wait3A, %dma_wait3A_76] : memref<32x4x128xi32, #tpu.memory_space<hbm>> -> memref<1x4x128xi32, #tpu.memory_space<hbm>>
      %dma_wait3A_78 = tpu.memref_squeeze %dma_wait3A_77 : memref<1x4x128xi32, #tpu.memory_space<hbm>> -> memref<4x128xi32, #tpu.memory_space<hbm>>
      %dma_wait3A_79 = arith.constant 0 : i32
      %dma_wait3A_80 = arith.constant 0 : i32
      %dma_wait3A_81 = tpu.memref_slice %arg2[%add3A, %dma_wait3A_79, %dma_wait3A_80] : memref<32x4x128xi32, #tpu.memory_space<hbm>> -> memref<1x4x128xi32, #tpu.memory_space<hbm>>
      %dma_wait3A_82 = tpu.memref_squeeze %dma_wait3A_81 : memref<1x4x128xi32, #tpu.memory_space<hbm>> -> memref<4x128xi32, #tpu.memory_space<hbm>>
      tpu.wait_dma2 semaphore(%run_scoped3A_68 : memref<!tpu.dma_semaphore, #tpu.memory_space<semaphore_mem>>) src(%dma_wait3A_82 : memref<4x128xi32, #tpu.memory_space<hbm>>) dst(%arg6 : memref<4x128xi32, #tpu.memory_space<vmem>>)
      tpu.yield
    }) : () -> ()
    %broadcast_in_dim3A = arith.constant 1.000000e+00 : f32
    %broadcast_in_dim3A_1 = vector.broadcast %broadcast_in_dim3A : f32 to vector<16xf32>
    %swap3A = arith.constant 0 : index
    %swap3A_2 = tpu.vector_load %arg7[%swap3A] {strides = array<i32>} : memref<128xf32, #tpu.memory_space<vmem>>, vector<16xf32>,
    %swap3A_3 = vector.shape_cast %swap3A_2 : vector<16xf32> to vector<16xf32>
    %swap3A_4 = vector.shape_cast %broadcast_in_dim3A_1 : vector<16xf32> to vector<16xf32>
    tpu.vector_store %arg7[%swap3A], %swap3A_4 {strides = array<i32>} : memref<128xf32, #tpu.memory_space<vmem>>, vector<16xf32>,
    %broadcast_in_dim3A_5 = arith.constant 1.000000e+00 : f32
    %broadcast_in_dim3A_6 = vector.broadcast %broadcast_in_dim3A_5 : f32 to vector<16xf32>
    %swap3A_7 = arith.constant 16 : index
    %swap3A_8 = tpu.vector_load %arg7[%swap3A_7] {strides = array<i32>} : memref<128xf32, #tpu.memory_space<vmem>>, vector<16xf32>,
    %swap3A_9 = vector.shape_cast %swap3A_8 : vector<16xf32> to vector<16xf32>
    %swap3A_10 = vector.shape_cast %broadcast_in_dim3A_6 : vector<16xf32> to vector<16xf32>
    tpu.vector_store %arg7[%swap3A_7], %swap3A_10 {strides = array<i32>} : memref<128xf32, #tpu.memory_space<vmem>>, vector<16xf32>,
    %broadcast_in_dim3A_11 = arith.constant 1.000000e+00 : f32
    %broadcast_in_dim3A_12 = vector.broadcast %broadcast_in_dim3A_11 : f32 to vector<16xf32>
    %swap3A_13 = arith.constant 32 : index
    %swap3A_14 = tpu.vector_load %arg7[%swap3A_13] {strides = array<i32>} : memref<128xf32, #tpu.memory_space<vmem>>, vector<16xf32>,
    %swap3A_15 = vector.shape_cast %swap3A_14 : vector<16xf32> to vector<16xf32>
    %swap3A_16 = vector.shape_cast %broadcast_in_dim3A_12 : vector<16xf32> to vector<16xf32>
    tpu.vector_store %arg7[%swap3A_13], %swap3A_16 {strides = array<i32>} : memref<128xf32, #tpu.memory_space<vmem>>, vector<16xf32>,
    %broadcast_in_dim3A_17 = arith.constant 1.000000e+00 : f32
    %broadcast_in_dim3A_18 = vector.broadcast %broadcast_in_dim3A_17 : f32 to vector<16xf32>
    %swap3A_19 = arith.constant 48 : index
    %swap3A_20 = tpu.vector_load %arg7[%swap3A_19] {strides = array<i32>} : memref<128xf32, #tpu.memory_space<vmem>>, vector<16xf32>,
    %swap3A_21 = vector.shape_cast %swap3A_20 : vector<16xf32> to vector<16xf32>
    %swap3A_22 = vector.shape_cast %broadcast_in_dim3A_18 : vector<16xf32> to vector<16xf32>
    tpu.vector_store %arg7[%swap3A_19], %swap3A_22 {strides = array<i32>} : memref<128xf32, #tpu.memory_space<vmem>>, vector<16xf32>,
    %broadcast_in_dim3A_23 = arith.constant 1.000000e+00 : f32
    %broadcast_in_dim3A_24 = vector.broadcast %broadcast_in_dim3A_23 : f32 to vector<16xf32>
    %swap3A_25 = arith.constant 64 : index
    %swap3A_26 = tpu.vector_load %arg7[%swap3A_25] {strides = array<i32>} : memref<128xf32, #tpu.memory_space<vmem>>, vector<16xf32>,
    %swap3A_27 = vector.shape_cast %swap3A_26 : vector<16xf32> to vector<16xf32>
    %swap3A_28 = vector.shape_cast %broadcast_in_dim3A_24 : vector<16xf32> to vector<16xf32>
    tpu.vector_store %arg7[%swap3A_25], %swap3A_28 {strides = array<i32>} : memref<128xf32, #tpu.memory_space<vmem>>, vector<16xf32>,
    %broadcast_in_dim3A_29 = arith.constant 1.000000e+00 : f32
    %broadcast_in_dim3A_30 = vector.broadcast %broadcast_in_dim3A_29 : f32 to vector<16xf32>
    %swap3A_31 = arith.constant 80 : index
    %swap3A_32 = tpu.vector_load %arg7[%swap3A_31] {strides = array<i32>} : memref<128xf32, #tpu.memory_space<vmem>>, vector<16xf32>,
    %swap3A_33 = vector.shape_cast %swap3A_32 : vector<16xf32> to vector<16xf32>
    %swap3A_34 = vector.shape_cast %broadcast_in_dim3A_30 : vector<16xf32> to vector<16xf32>
    tpu.vector_store %arg7[%swap3A_31], %swap3A_34 {strides = array<i32>} : memref<128xf32, #tpu.memory_space<vmem>>, vector<16xf32>,
    %broadcast_in_dim3A_35 = arith.constant 1.000000e+00 : f32
    %broadcast_in_dim3A_36 = vector.broadcast %broadcast_in_dim3A_35 : f32 to vector<16xf32>
    %swap3A_37 = arith.constant 96 : index
    %swap3A_38 = tpu.vector_load %arg7[%swap3A_37] {strides = array<i32>} : memref<128xf32, #tpu.memory_space<vmem>>, vector<16xf32>,
    %swap3A_39 = vector.shape_cast %swap3A_38 : vector<16xf32> to vector<16xf32>
    %swap3A_40 = vector.shape_cast %broadcast_in_dim3A_36 : vector<16xf32> to vector<16xf32>
    tpu.vector_store %arg7[%swap3A_37], %swap3A_40 {strides = array<i32>} : memref<128xf32, #tpu.memory_space<vmem>>, vector<16xf32>,
    %broadcast_in_dim3A_41 = arith.constant 1.000000e+00 : f32
    %broadcast_in_dim3A_42 = vector.broadcast %broadcast_in_dim3A_41 : f32 to vector<16xf32>
    %swap3A_43 = arith.constant 112 : index
    %swap3A_44 = tpu.vector_load %arg7[%swap3A_43] {strides = array<i32>} : memref<128xf32, #tpu.memory_space<vmem>>, vector<16xf32>,
    %swap3A_45 = vector.shape_cast %swap3A_44 : vector<16xf32> to vector<16xf32>
    %swap3A_46 = vector.shape_cast %broadcast_in_dim3A_42 : vector<16xf32> to vector<16xf32>
    tpu.vector_store %arg7[%swap3A_43], %swap3A_46 {strides = array<i32>} : memref<128xf32, #tpu.memory_space<vmem>>, vector<16xf32>,
    %eq3A = arith.constant 0 : i32
    %eq3A_47 = arith.cmpi eq, %arg1, %eq3A : i32
    %convert_element_type3A = arith.extui %eq3A_47 : i1 to i32
    %cond3A = arith.constant 0 : i32
    %cond3A_48 = arith.cmpi ne, %convert_element_type3A, %cond3A : i32
    scf.if %cond3A_48 {
      "tpu.region"() ({
        %run_scoped3A_68 = tpu.sem_alloc : memref<!tpu.dma_semaphore, #tpu.memory_space<semaphore_mem>>
        tpu.enqueue_dma source(%arg3 : memref<1000000xf32, #tpu.memory_space<hbm>>) target(%arg8 : memref<1000000xf32, #tpu.memory_space<vmem_shared>>) target_semaphore(%run_scoped3A_68 : memref<!tpu.dma_semaphore, #tpu.memory_space<semaphore_mem>>)
        tpu.wait_dma2 semaphore(%run_scoped3A_68 : memref<!tpu.dma_semaphore, #tpu.memory_space<semaphore_mem>>) src(%arg3 : memref<1000000xf32, #tpu.memory_space<hbm>>) dst(%arg8 : memref<1000000xf32, #tpu.memory_space<vmem_shared>>)
        tpu.yield
      }) : () -> ()
    } else {
    }
    %barrier3A = arith.constant 0 : index
    tpu.barrier barrier_id(%barrier3A)
    %run_scoped3A = arith.constant 0 : i32
    "tpu.region"() ({
      %run_scoped3A_68 = tpu.sem_alloc : memref<!tpu.dma_semaphore, #tpu.memory_space<semaphore_mem>>
      %dma_start3A = arith.constant 0 : i32
      %dma_start3A_69 = tpu.memref_slice %arg6[%run_scoped3A, %dma_start3A] : memref<4x128xi32, #tpu.memory_space<vmem>> -> memref<1x128xi32, #tpu.memory_space<vmem>>
      %dma_start3A_70 = tpu.memref_squeeze %dma_start3A_69 : memref<1x128xi32, #tpu.memory_space<vmem>> -> memref<128xi32, #tpu.memory_space<vmem>>
      %dma_start3A_71 = arith.constant 0 : i32
      %dma_start3A_72 = tpu.memref_slice %arg8[%dma_start3A_71] : memref<1000000xf32, #tpu.memory_space<vmem_shared>> -> memref<1000000xf32, #tpu.memory_space<vmem_shared>>
      tpu.enqueue_indirect_dma source(%arg7 : memref<128xf32, #tpu.memory_space<vmem>>) target(%dma_start3A_72 : memref<1000000xf32, #tpu.memory_space<vmem_shared>>) offsets(%dma_start3A_70 : memref<128xi32, #tpu.memory_space<vmem>>) semaphore(%run_scoped3A_68 : memref<!tpu.dma_semaphore, #tpu.memory_space<semaphore_mem>>) {add = true}
      %dma_wait3A = arith.constant 0 : i32
      %dma_wait3A_73 = tpu.memref_slice %arg6[%run_scoped3A, %dma_wait3A] : memref<4x128xi32, #tpu.memory_space<vmem>> -> memref<1x128xi32, #tpu.memory_space<vmem>>
      %dma_wait3A_74 = tpu.memref_squeeze %dma_wait3A_73 : memref<1x128xi32, #tpu.memory_space<vmem>> -> memref<128xi32, #tpu.memory_space<vmem>>
      %dma_wait3A_75 = arith.constant 0 : i32
      %dma_wait3A_76 = tpu.memref_slice %arg8[%dma_wait3A_75] : memref<1000000xf32, #tpu.memory_space<vmem_shared>> -> memref<1000000xf32, #tpu.memory_space<vmem_shared>>
      tpu.wait_indirect_dma semaphore(%run_scoped3A_68 : memref<!tpu.dma_semaphore, #tpu.memory_space<semaphore_mem>>) src(%arg7 : memref<128xf32, #tpu.memory_space<vmem>>) dst(%dma_wait3A_76 : memref<1000000xf32, #tpu.memory_space<vmem_shared>>)
      tpu.yield
    }) : () -> ()
    %run_scoped3A_49 = arith.constant 1 : i32
    "tpu.region"() ({
      %run_scoped3A_68 = tpu.sem_alloc : memref<!tpu.dma_semaphore, #tpu.memory_space<semaphore_mem>>
      %dma_start3A = arith.constant 0 : i32
      %dma_start3A_69 = tpu.memref_slice %arg6[%run_scoped3A_49, %dma_start3A] : memref<4x128xi32, #tpu.memory_space<vmem>> -> memref<1x128xi32, #tpu.memory_space<vmem>>
      %dma_start3A_70 = tpu.memref_squeeze %dma_start3A_69 : memref<1x128xi32, #tpu.memory_space<vmem>> -> memref<128xi32, #tpu.memory_space<vmem>>
      %dma_start3A_71 = arith.constant 0 : i32
      %dma_start3A_72 = tpu.memref_slice %arg8[%dma_start3A_71] : memref<1000000xf32, #tpu.memory_space<vmem_shared>> -> memref<1000000xf32, #tpu.memory_space<vmem_shared>>
      tpu.enqueue_indirect_dma source(%arg7 : memref<128xf32, #tpu.memory_space<vmem>>) target(%dma_start3A_72 : memref<1000000xf32, #tpu.memory_space<vmem_shared>>) offsets(%dma_start3A_70 : memref<128xi32, #tpu.memory_space<vmem>>) semaphore(%run_scoped3A_68 : memref<!tpu.dma_semaphore, #tpu.memory_space<semaphore_mem>>) {add = true}
      %dma_wait3A = arith.constant 0 : i32
      %dma_wait3A_73 = tpu.memref_slice %arg6[%run_scoped3A_49, %dma_wait3A] : memref<4x128xi32, #tpu.memory_space<vmem>> -> memref<1x128xi32, #tpu.memory_space<vmem>>
      %dma_wait3A_74 = tpu.memref_squeeze %dma_wait3A_73 : memref<1x128xi32, #tpu.memory_space<vmem>> -> memref<128xi32, #tpu.memory_space<vmem>>
      %dma_wait3A_75 = arith.constant 0 : i32
      %dma_wait3A_76 = tpu.memref_slice %arg8[%dma_wait3A_75] : memref<1000000xf32, #tpu.memory_space<vmem_shared>> -> memref<1000000xf32, #tpu.memory_space<vmem_shared>>
      tpu.wait_indirect_dma semaphore(%run_scoped3A_68 : memref<!tpu.dma_semaphore, #tpu.memory_space<semaphore_mem>>) src(%arg7 : memref<128xf32, #tpu.memory_space<vmem>>) dst(%dma_wait3A_76 : memref<1000000xf32, #tpu.memory_space<vmem_shared>>)
      tpu.yield
    }) : () -> ()
    %run_scoped3A_50 = arith.constant 2 : i32
    "tpu.region"() ({
      %run_scoped3A_68 = tpu.sem_alloc : memref<!tpu.dma_semaphore, #tpu.memory_space<semaphore_mem>>
      %dma_start3A = arith.constant 0 : i32
      %dma_start3A_69 = tpu.memref_slice %arg6[%run_scoped3A_50, %dma_start3A] : memref<4x128xi32, #tpu.memory_space<vmem>> -> memref<1x128xi32, #tpu.memory_space<vmem>>
      %dma_start3A_70 = tpu.memref_squeeze %dma_start3A_69 : memref<1x128xi32, #tpu.memory_space<vmem>> -> memref<128xi32, #tpu.memory_space<vmem>>
      %dma_start3A_71 = arith.constant 0 : i32
      %dma_start3A_72 = tpu.memref_slice %arg8[%dma_start3A_71] : memref<1000000xf32, #tpu.memory_space<vmem_shared>> -> memref<1000000xf32, #tpu.memory_space<vmem_shared>>
      tpu.enqueue_indirect_dma source(%arg7 : memref<128xf32, #tpu.memory_space<vmem>>) target(%dma_start3A_72 : memref<1000000xf32, #tpu.memory_space<vmem_shared>>) offsets(%dma_start3A_70 : memref<128xi32, #tpu.memory_space<vmem>>) semaphore(%run_scoped3A_68 : memref<!tpu.dma_semaphore, #tpu.memory_space<semaphore_mem>>) {add = true}
      %dma_wait3A = arith.constant 0 : i32
      %dma_wait3A_73 = tpu.memref_slice %arg6[%run_scoped3A_50, %dma_wait3A] : memref<4x128xi32, #tpu.memory_space<vmem>> -> memref<1x128xi32, #tpu.memory_space<vmem>>
      %dma_wait3A_74 = tpu.memref_squeeze %dma_wait3A_73 : memref<1x128xi32, #tpu.memory_space<vmem>> -> memref<128xi32, #tpu.memory_space<vmem>>
      %dma_wait3A_75 = arith.constant 0 : i32
      %dma_wait3A_76 = tpu.memref_slice %arg8[%dma_wait3A_75] : memref<1000000xf32, #tpu.memory_space<vmem_shared>> -> memref<1000000xf32, #tpu.memory_space<vmem_shared>>
      tpu.wait_indirect_dma semaphore(%run_scoped3A_68 : memref<!tpu.dma_semaphore, #tpu.memory_space<semaphore_mem>>) src(%arg7 : memref<128xf32, #tpu.memory_space<vmem>>) dst(%dma_wait3A_76 : memref<1000000xf32, #tpu.memory_space<vmem_shared>>)
      tpu.yield
    }) : () -> ()
    %run_scoped3A_51 = arith.constant 3 : i32
    "tpu.region"() ({
      %run_scoped3A_68 = tpu.sem_alloc : memref<!tpu.dma_semaphore, #tpu.memory_space<semaphore_mem>>
      %dma_start3A = arith.constant 0 : i32
      %dma_start3A_69 = tpu.memref_slice %arg6[%run_scoped3A_51, %dma_start3A] : memref<4x128xi32, #tpu.memory_space<vmem>> -> memref<1x128xi32, #tpu.memory_space<vmem>>
      %dma_start3A_70 = tpu.memref_squeeze %dma_start3A_69 : memref<1x128xi32, #tpu.memory_space<vmem>> -> memref<128xi32, #tpu.memory_space<vmem>>
      %dma_start3A_71 = arith.constant 0 : i32
      %dma_start3A_72 = tpu.memref_slice %arg8[%dma_start3A_71] : memref<1000000xf32, #tpu.memory_space<vmem_shared>> -> memref<1000000xf32, #tpu.memory_space<vmem_shared>>
      tpu.enqueue_indirect_dma source(%arg7 : memref<128xf32, #tpu.memory_space<vmem>>) target(%dma_start3A_72 : memref<1000000xf32, #tpu.memory_space<vmem_shared>>) offsets(%dma_start3A_70 : memref<128xi32, #tpu.memory_space<vmem>>) semaphore(%run_scoped3A_68 : memref<!tpu.dma_semaphore, #tpu.memory_space<semaphore_mem>>) {add = true}
      %dma_wait3A = arith.constant 0 : i32
      %dma_wait3A_73 = tpu.memref_slice %arg6[%run_scoped3A_51, %dma_wait3A] : memref<4x128xi32, #tpu.memory_space<vmem>> -> memref<1x128xi32, #tpu.memory_space<vmem>>
      %dma_wait3A_74 = tpu.memref_squeeze %dma_wait3A_73 : memref<1x128xi32, #tpu.memory_space<vmem>> -> memref<128xi32, #tpu.memory_space<vmem>>
      %dma_wait3A_75 = arith.constant 0 : i32
      %dma_wait3A_76 = tpu.memref_slice %arg8[%dma_wait3A_75] : memref<1000000xf32, #tpu.memory_space<vmem_shared>> -> memref<1000000xf32, #tpu.memory_space<vmem_shared>>
      tpu.wait_indirect_dma semaphore(%run_scoped3A_68 : memref<!tpu.dma_semaphore, #tpu.memory_space<semaphore_mem>>) src(%arg7 : memref<128xf32, #tpu.memory_space<vmem>>) dst(%dma_wait3A_76 : memref<1000000xf32, #tpu.memory_space<vmem_shared>>)
      tpu.yield
    }) : () -> ()
    %barrier3A_52 = arith.constant 0 : index
    tpu.barrier barrier_id(%barrier3A_52)
    %eq3A_53 = arith.constant 0 : i32
    %eq3A_54 = arith.cmpi eq, %arg1, %eq3A_53 : i32
    %eq3A_55 = arith.constant 0 : i32
    %eq3A_56 = arith.cmpi eq, %arg0, %eq3A_55 : i32
    %and3A = arith.andi %eq3A_54, %eq3A_56 : i1
    %convert_element_type3A_57 = arith.extui %and3A : i1 to i32
    %cond3A_58 = arith.constant 0 : i32
    %cond3A_59 = arith.cmpi ne, %convert_element_type3A_57, %cond3A_58 : i32
    scf.if %cond3A_59 {
      "tpu.region"() ({
        %run_scoped3A_68 = tpu.sem_alloc : memref<!tpu.dma_semaphore, #tpu.memory_space<semaphore_mem>>
        tpu.enqueue_dma source(%arg8 : memref<1000000xf32, #tpu.memory_space<vmem_shared>>) target(%arg4 : memref<1000000xf32, #tpu.memory_space<hbm>>) target_semaphore(%run_scoped3A_68 : memref<!tpu.dma_semaphore, #tpu.memory_space<semaphore_mem>>)
        tpu.wait_dma2 semaphore(%run_scoped3A_68 : memref<!tpu.dma_semaphore, #tpu.memory_space<semaphore_mem>>) src(%arg8 : memref<1000000xf32, #tpu.memory_space<vmem_shared>>) dst(%arg4 : memref<1000000xf32, #tpu.memory_space<hbm>>)
        tpu.yield
      }) : () -> ()
    } else {
    }
    %eq3A_60 = arith.constant 0 : i32
    %eq3A_61 = arith.cmpi eq, %arg1, %eq3A_60 : i32
    %eq3A_62 = arith.constant 1 : i32
    %eq3A_63 = arith.cmpi eq, %arg0, %eq3A_62 : i32
    %and3A_64 = arith.andi %eq3A_61, %eq3A_63 : i1
    %convert_element_type3A_65 = arith.extui %and3A_64 : i1 to i32
    %cond3A_66 = arith.constant 0 : i32
    %cond3A_67 = arith.cmpi ne, %convert_element_type3A_65, %cond3A_66 : i32
    scf.if %cond3A_67 {
      "tpu.region"() ({
        %run_scoped3A_68 = tpu.sem_alloc : memref<!tpu.dma_semaphore, #tpu.memory_space<semaphore_mem>>
        tpu.enqueue_dma source(%arg8 : memref<1000000xf32, #tpu.memory_space<vmem_shared>>) target(%arg5 : memref<1000000xf32, #tpu.memory_space<hbm>>) target_semaphore(%run_scoped3A_68 : memref<!tpu.dma_semaphore, #tpu.memory_space<semaphore_mem>>)
        tpu.wait_dma2 semaphore(%run_scoped3A_68 : memref<!tpu.dma_semaphore, #tpu.memory_space<semaphore_mem>>) src(%arg8 : memref<1000000xf32, #tpu.memory_space<vmem_shared>>) dst(%arg5 : memref<1000000xf32, #tpu.memory_space<hbm>>)
        tpu.yield
      }) : () -> ()
    } else {
    }
    return
  }
}

module attributes {stable_mosaic.version = 14 : i64} {
  func.func @body(%arg0: memref<64x32768xf32, #tpu.memory_space<vmem>>, %arg1: memref<128x64xf32, #tpu.memory_space<vmem>>, %arg2: memref<128x1xf32, #tpu.memory_space<vmem>>, %arg3: memref<128x1xf32, #tpu.memory_space<vmem>>, %arg4: memref<1x1xf32, #tpu.memory_space<smem>>, %arg5: memref<1x1xf32, #tpu.memory_space<smem>>) attributes {dimension_semantics = [], scalar_prefetch = 0 : i64, scratch_operands = 0 : i64, tpu.core_type = #tpu.core_type<tc>} {
    %get3A = arith.constant 0 : index
    %get3A_0 = arith.constant 0 : index
    %get3A_1 = vector.load %arg0[%get3A, %get3A_0] : memref<64x32768xf32, #tpu.memory_space<vmem>>, vector<64x32768xf32>
    %reduce_sum3A = arith.constant dense<0.000000e+00> : vector<64xf32>
    %reduce_sum3A_2 = vector.multi_reduction <add>, %get3A_1, %reduce_sum3A [1] : vector<64x32768xf32> to vector<64xf32>
    %broadcast_in_dim3A = vector.shape_cast %reduce_sum3A_2 : vector<64xf32> to vector<64x1xf32>
    %get3A_3 = arith.constant 0 : index
    %get3A_4 = arith.constant 0 : index
    %get3A_5 = vector.load %arg1[%get3A_3, %get3A_4] : memref<128x64xf32, #tpu.memory_space<vmem>>, vector<128x64xf32>
    %dot_general3A = arith.constant dense<0.000000e+00> : vector<128x1xf32>
    %dot_general3A_6 = tpu.matmul %get3A_5, %broadcast_in_dim3A, %dot_general3A {dimension_numbers = #tpu.dot_dimension_numbers<[1], [0], [0], [1], [0, 0, 1, 1], [], []>, transpose_lhs_hint = false} : vector<128x64xf32>, vector<64x1xf32>, vector<128x1xf32> -> vector<128x1xf32>
    %get3A_7 = arith.constant 0 : index
    %get3A_8 = arith.constant 0 : index
    %get3A_9 = vector.load %arg2[%get3A_7, %get3A_8] : memref<128x1xf32, #tpu.memory_space<vmem>>, vector<128x1xf32>
    %add3A = arith.addf %dot_general3A_6, %get3A_9 : vector<128x1xf32>
    %max3A = arith.constant 0.000000e+00 : f32
    %max3A_10 = vector.broadcast %max3A : f32 to vector<128x1xf32>
    %max3A_11 = arith.maximumf %add3A, %max3A_10 : vector<128x1xf32>
    %convert_element_type3A = arith.truncf %max3A_11 : vector<128x1xf32> to vector<128x1xbf16>
    %convert_element_type3A_12 = arith.extf %convert_element_type3A : vector<128x1xbf16> to vector<128x1xf32>
    %get3A_13 = arith.constant 0 : index
    %get3A_14 = arith.constant 0 : index
    %get3A_15 = vector.load %arg3[%get3A_13, %get3A_14] : memref<128x1xf32, #tpu.memory_space<vmem>>, vector<128x1xf32>
    %convert_element_type3A_16 = arith.truncf %get3A_15 : vector<128x1xf32> to vector<128x1xbf16>
    %convert_element_type3A_17 = arith.extf %convert_element_type3A_16 : vector<128x1xbf16> to vector<128x1xf32>
    %mul3A = arith.mulf %convert_element_type3A_12, %convert_element_type3A_17 : vector<128x1xf32>
    %reduce_sum3A_18 = vector.shape_cast %mul3A : vector<128x1xf32> to vector<1x128x1xf32>
    %reduce_sum3A_19 = arith.constant dense<0.000000e+00> : vector<1xf32>
    %reduce_sum3A_20 = vector.multi_reduction <add>, %reduce_sum3A_18, %reduce_sum3A_19 [1, 2] : vector<1x128x1xf32> to vector<1xf32>
    %reduce_sum3A_21 = vector.shape_cast %reduce_sum3A_20 : vector<1xf32> to vector<1x1x1xf32>
    %reduce_sum3A_22 = vector.extract %reduce_sum3A_21[0, 0, 0] : f32 from vector<1x1x1xf32>
    %get3A_23 = arith.constant 0 : index
    %get3A_24 = arith.constant 0 : index
    %get3A_25 = memref.load %arg4[%get3A_23, %get3A_24] : memref<1x1xf32, #tpu.memory_space<smem>>
    %add3A_26 = arith.addf %reduce_sum3A_22, %get3A_25 : f32
    %swap3A = arith.constant 0 : index
    %swap3A_27 = arith.constant 0 : index
    %swap3A_28 = memref.load %arg5[%swap3A, %swap3A_27] : memref<1x1xf32, #tpu.memory_space<smem>>
    memref.store %add3A_26, %arg5[%swap3A, %swap3A_27] : memref<1x1xf32, #tpu.memory_space<smem>>
    return
  }
}

module attributes {stable_mosaic.version = 14 : i64} {
  func.func @body(%arg0: i32, %arg1: memref<1015808xf32, #tpu.memory_space<vmem>>, %arg2: memref<64x32768xf32, #tpu.memory_space<vmem>>, %arg3: memref<64x32768xf32, #tpu.memory_space<vmem>>) attributes {dimension_semantics = [#tpu.dimension_semantics<arbitrary>], iteration_bounds = array<i64: 31>, scalar_prefetch = 0 : i64, scratch_operands = 0 : i64, tpu.core_type = #tpu.core_type<tc>, window_params = [{pipeline_mode = #tpu.pipeline_mode<synchronous>, transform_indices = @transform_0, window_bounds = array<i64: 1015808>}, {transform_indices = @transform_1, window_bounds = array<i64: 64, 32768>}, {pipeline_mode = #tpu.pipeline_mode<synchronous>, transform_indices = @transform_2, window_bounds = array<i64: 64, 32768>}]} {
    %eq3A = arith.constant 0 : i32
    %eq3A_0 = arith.cmpi eq, %arg0, %eq3A : i32
    %convert_element_type3A = arith.extui %eq3A_0 : i1 to i32
    %cond3A = arith.constant 0 : i32
    %cond3A_1 = arith.cmpi ne, %convert_element_type3A, %cond3A : i32
    scf.if %cond3A_1 {
      %broadcast_in_dim3A_23 = arith.constant 0.000000e+00 : f32
      %broadcast_in_dim3A_24 = vector.broadcast %broadcast_in_dim3A_23 : f32 to vector<64x32768xf32>
      %swap3A_25 = arith.constant 0 : index
      %swap3A_26 = arith.constant 0 : index
      %swap3A_27 = vector.load %arg3[%swap3A_25, %swap3A_26] : memref<64x32768xf32, #tpu.memory_space<vmem>>, vector<64x32768xf32>
      tpu.vector_store %arg3[%swap3A_25, %swap3A_26], %broadcast_in_dim3A_24 {strides = array<i32>} : memref<64x32768xf32, #tpu.memory_space<vmem>>, vector<64x32768xf32>,
    } else {
    }
    %mul3A = arith.constant 32768 : i32
    %mul3A_2 = arith.muli %arg0, %mul3A : i32
    %iota3A = tpu.iota {dimensions = array<i32: 1>} : vector<1x32768xi32>
    %add3A = vector.broadcast %mul3A_2 : i32 to vector<1x32768xi32>
    %add3A_3 = arith.addi %add3A, %iota3A : vector<1x32768xi32>
    %lt3A = arith.constant 1000000 : i32
    %lt3A_4 = vector.broadcast %lt3A : i32 to vector<1x32768xi32>
    %lt3A_5 = arith.cmpi slt, %add3A_3, %lt3A_4 : vector<1x32768xi32>
    %get3A = arith.constant 0 : index
    %get3A_6 = arith.constant 0 : index
    %get3A_7 = vector.load %arg2[%get3A, %get3A_6] : memref<64x32768xf32, #tpu.memory_space<vmem>>, vector<64x32768xf32>
    %jit3A = arith.constant 0.000000e+00 : f32
    %broadcast_in_dim3A = vector.shape_cast %lt3A_5 : vector<1x32768xi1> to vector<1x32768xi1>
    %broadcast_in_dim3A_8 = vector.broadcast %broadcast_in_dim3A : vector<1x32768xi1> to vector<64x32768xi1>
    %broadcast_in_dim3A_9 = vector.broadcast %jit3A : f32 to vector<64x32768xf32>
    %select_n3A = arith.select %broadcast_in_dim3A_8, %get3A_7, %broadcast_in_dim3A_9 : vector<64x32768xi1>, vector<64x32768xf32>
    %mul3A_10 = arith.constant 32768 : i32
    %mul3A_11 = arith.muli %arg0, %mul3A_10 : i32
    %get3A_12 = arith.index_cast %mul3A_11 : i32 to index
    %get3A_13 = vector.load %arg1[%get3A_12] : memref<1015808xf32, #tpu.memory_space<vmem>>, vector<32768xf32>
    %get3A_14 = arith.constant 0 : index
    %get3A_15 = arith.constant 0 : index
    %get3A_16 = vector.load %arg3[%get3A_14, %get3A_15] : memref<64x32768xf32, #tpu.memory_space<vmem>>, vector<64x32768xf32>
    %broadcast_in_dim3A_17 = vector.shape_cast %get3A_13 : vector<32768xf32> to vector<1x32768xf32>
    %mul3A_18 = vector.broadcast %broadcast_in_dim3A_17 : vector<1x32768xf32> to vector<64x32768xf32>
    %mul3A_19 = arith.mulf %select_n3A, %mul3A_18 : vector<64x32768xf32>
    %add3A_20 = arith.addf %get3A_16, %mul3A_19 : vector<64x32768xf32>
    %swap3A = arith.constant 0 : index
    %swap3A_21 = arith.constant 0 : index
    %swap3A_22 = vector.load %arg3[%swap3A, %swap3A_21] : memref<64x32768xf32, #tpu.memory_space<vmem>>, vector<64x32768xf32>
    tpu.vector_store %arg3[%swap3A, %swap3A_21], %add3A_20 {strides = array<i32>} : memref<64x32768xf32, #tpu.memory_space<vmem>>, vector<64x32768xf32>,
    return
  }
  func.func @transform_0(%arg0: i32) -> i32 {
    %c0_i32 = arith.constant 0 : i32
    %c0_i32_0 = arith.constant 0 : i32
    return %c0_i32 : i32
  }
  func.func @transform_1(%arg0: i32) -> (i32, i32) {
    %c0_i32 = arith.constant 0 : i32
    %c0_i32_0 = arith.constant 0 : i32
    return %c0_i32, %arg0 : i32, i32
  }
  func.func @transform_2(%arg0: i32) -> (i32, i32) {
    %c0_i32 = arith.constant 0 : i32
    %c0_i32_0 = arith.constant 0 : i32
    %c0_i32_1 = arith.constant 0 : i32
    return %c0_i32, %c0_i32_0 : i32, i32
  }
}

</mosaic_0001>

<sc_bundles>
// kernel: kernel.5.cloned.1.call-start
scs
__scs_entry_jumppad:
0x0: {  	(pc) =	sbr.rel $0x88, $3  }
0x1: {  	(tag) =	ssettag $0x0;
	lr =	simm.s32 $0x1  }
0x2: {  	[smem:$0x3F9B] =	sst lr;
	_ =	strace $0xD0000000  }
0x3: {  	_ = 	snop  }
0x4: {  	_ = 	snop  }
0x5: {  	_ = 	snop  }
0x6: {  	_ = 	snop  }
0x7: {  	_ = 	snop  }
__scs_overlays_trampoline_lowered:
0x8: {  	[smem:$0x3FAA] =	sst s0  }
0x9: {  	[smem:$0x3FAB] =	sst s1  }
0xa: {  	[smem:$0x3FAC] =	sst s2  }
0xb: {  	[smem:$0x3FAD] =	sst s3  }
0xc: {  	[smem:$0x3FAE] =	sst s4  }
0xd: {  	[smem:$0x3FAF] =	sst s5  }
0xe: {  	[smem:$0x3FB0] =	sst s6  }
0xf: {  	[smem:$0x3FB1] =	sst s7  }
0x10: {  	[smem:$0x3FB2] =	sst s8  }
0x11: {  	[smem:$0x3FB3] =	sst s9;
	s0 =	simm.s32 @!p0 $0x0  }
0x12: {  	s1 =	sld [smem:$0x3F99];
	s0 =	simm.s32 @p0 $0x1  }
0x13: {  	[smem:$0x3FB4] =	sst s0;
	s0 =	simm.s32 @!p1 $0x0  }
0x14: {  	s2 =	sld [smem:$0x3F98];
	s0 =	simm.s32 @p1 $0x1  }
0x15: {  	[smem:$0x3FB5] =	sst s0;
	s0 =	simm.s32 @!p2 $0x0  }
0x16: {  	s3 =	sld [smem:$0x3FDB];
	s0 =	simm.s32 @p2 $0x1  }
0x17: {  	s4 =	simm.s32 $0x1BF5;
	[smem:$0x3FB7] =	sst s0  }
0x18: {  	s0 =	sld [smem:$0x3F9A];
	_ =	swait.ge [sflag:s4], $0x0  }
0x19: {  	s7 =	sld [smem:$0x3F9B]  }
0x1a: {  	s8 =	sadd.s32 $0xFFFFE003, lr  }
0x1b: {  	s9 =	sadd.s32 $0xFFFFFEF7, lr;
	s5 =	simm.s32 $0xFFFFFFFF;
	p2 =	slt.u32 s8, $0xFFFFF086  }
0x1c: {  	p1 =	slt.u32 s9, $0xF7A;
	s5 =	simm.s32 @!p2 $0x0  }
0x1d: {  	s5 =	simm.s32 @p1 $0x1;
	p0 =	seq.s32 s7, s2  }
0x1e: {  	s7 =	smul.u32 @!p0 $0xF7A, s2;
	p2 =	seq.s32 @!p0 s5, $0x0  }
0x1f: {  	s9 =	smul.u32 $0xF7A, s1;
	s8 =	simm.s32 @!p0 $0x1BF5;
	p2 =	por !p2, p0  }
0x20: {  	[sflag:s8] =	ssyncset.s32 @!p0 $0xFFFFF086;
	s6 =	sadd.s32 @!p0 s3, s7;
	s7 =	simm.s32 @!p0 $0x108  }
0x21: {  	s3 =	sadd.s32 s3, s9;
	s6 =	sadd.s32 @!p0 $0x88, s6;
	s7 =	simm.s32 @p2 $0x1082  }
0x22: {  	[simem:s7], [sflag:s8] =	dma.local @!p0 [hbm:s6], $0xF7A  }
0x23: {  	s9 =	sor.u32 $0xD0000000, s2;
	s6 =	simm.s32 $0x108;
	_ =	swait.ge @!p0 [sflag:s8], $0x0  }
0x24: {  	s3 =	sadd.s32 $0x88, s3;
	s6 =	simm.s32 @!p1 $0x1082;
	[sflag:s4] =	ssyncset.s32 $0xFFFFF086  }
0x25: {  	[simem:s6], [sflag:s4] =	dma.local [hbm:s3], $0xF7A  }
0x26: {  	[smem:$0x3F9B] =	sst s1;
	(tag) =	ssettag s2;
	_ =	strace s9  }
0x27: {  	s1 =	sld [smem:$0x3FAB]  }
0x28: {  	s2 =	sld [smem:$0x3FAC]  }
0x29: {  	s4 =	sld [smem:$0x3FAE]  }
0x2a: {  	p0 =	seq.s32 s5, $0x0;
	s5 =	sld [smem:$0x3FAF]  }
0x2b: {  	s6 =	sld [smem:$0x3FB0]  }
0x2c: {  	s7 =	sld [smem:$0x3FB1]  }
0x2d: {  	s3 =	simm.s32 $0x108;
	s8 =	sld [smem:$0x3FB2]  }
0x2e: {  	s3 =	simm.s32 @!p0 $0x1082;
	s9 =	sld [smem:$0x3FB3]  }
0x2f: {  	lr =	sadd.s32 s0, s3;
	s0 =	sld [smem:$0x3FAA]  }
0x30: {  	s3 =	sld [smem:$0x3FAD]  }
0x31: {  	[smem:$0x3FB6] =	sst s10  }
0x32: {  	s10 =	sld [smem:$0x3FB4];
	_ =	sdelay $0x3  }
0x33: {  	p0 =	seq.s32 s10, $0x1;
	s10 =	sld [smem:$0x3FB6];
	_ =	sdelay $0x3  }
0x34: {  	[smem:$0x3FB6] =	sst s10  }
0x35: {  	s10 =	sld [smem:$0x3FB5];
	_ =	sdelay $0x3  }
0x36: {  	p1 =	seq.s32 s10, $0x1;
	s10 =	sld [smem:$0x3FB6];
	_ =	sdelay $0x3  }
0x37: {  	[smem:$0x3FB6] =	sst s10  }
0x38: {  	s10 =	sld [smem:$0x3FB7]  }
0x39: {  	_ = 	snop;
	(pc) =	sbr.ind lr, $3  }
0x3a: {  	_ = 	snop  }
0x3b: {  	_ = 	snop  }
0x3c: {  	p2 =	seq.s32 s10, $0x1;
	s10 =	sld [smem:$0x3FB6]  }
0x3d: {  	_ =	shalt  }
0x3e: {  	_ =	shalt  }
0x3f: {  	_ =	shalt  }
0x40: {  	_ =	shalt  }
0x41: {  	_ =	shalt  }
0x42: {  	_ =	shalt  }
0x43: {  	_ =	shalt  }
0x44: {  	_ =	shalt  }
0x45: {  	_ =	shalt  }
0x46: {  	_ =	shalt  }
0x47: {  	_ =	shalt  }
0x48: {  	_ =	shalt  }
0x49: {  	_ =	shalt  }
0x4a: {  	_ =	shalt  }
0x4b: {  	_ =	shalt  }
0x4c: {  	_ =	shalt  }
0x4d: {  	_ =	shalt  }
0x4e: {  	_ =	shalt  }
0x4f: {  	_ =	shalt  }
0x50: {  	_ =	shalt  }
0x51: {  	_ =	shalt  }
0x52: {  	_ =	shalt  }
0x53: {  	_ =	shalt  }
0x54: {  	_ =	shalt  }
0x55: {  	_ =	shalt  }
0x56: {  	_ =	shalt  }
0x57: {  	_ =	shalt  }
0x58: {  	_ =	shalt  }
0x59: {  	_ =	shalt  }
0x5a: {  	_ =	shalt  }
0x5b: {  	_ =	shalt  }
0x5c: {  	_ =	shalt  }
0x5d: {  	_ =	shalt  }
0x5e: {  	_ =	shalt  }
0x5f: {  	_ =	shalt  }
0x60: {  	_ =	shalt  }
0x61: {  	_ =	shalt  }
0x62: {  	_ =	shalt  }
0x63: {  	_ =	shalt  }
0x64: {  	_ =	shalt  }
0x65: {  	_ =	shalt  }
0x66: {  	_ =	shalt  }
0x67: {  	_ =	shalt  }
0x68: {  	_ =	shalt  }
0x69: {  	_ =	shalt  }
0x6a: {  	_ =	shalt  }
0x6b: {  	_ =	shalt  }
0x6c: {  	_ =	shalt  }
0x6d: {  	_ =	shalt  }
0x6e: {  	_ =	shalt  }
0x6f: {  	_ =	shalt  }
0x70: {  	_ =	shalt  }
0x71: {  	_ =	shalt  }
0x72: {  	_ =	shalt  }
0x73: {  	_ =	shalt  }
0x74: {  	_ =	shalt  }
0x75: {  	_ =	shalt  }
0x76: {  	_ =	shalt  }
0x77: {  	_ =	shalt  }
0x78: {  	_ =	shalt  }
0x79: {  	_ =	shalt  }
0x7a: {  	_ =	shalt  }
0x7b: {  	_ =	shalt  }
0x7c: {  	_ =	shalt  }
0x7d: {  	_ =	shalt  }
0x7e: {  	_ =	shalt  }
0x7f: {  	_ =	shalt  }
0x80: {  	_ =	shalt  }
0x81: {  	_ =	shalt  }
0x82: {  	_ =	shalt  }
0x83: {  	_ =	shalt  }
0x84: {  	_ =	shalt  }
0x85: {  	_ =	shalt  }
0x86: {  	_ =	shalt  }
0x87: {  	_ =	shalt  }
.Lfunc_end0:
.L_simem_size_0:
called_computation_lowered:
.L_overlay_start_0:
0x88: {  	s2 =	sld [smem:$0x3FD9]  }
0x89: {  	s3 =	sld [smem:$0x3FFE];
	_ =	sdelay $0x1  }
0x8a: {  	s1 =	srdreg.scid  }
0x8b: {  	s0 =	sand.u32 $0x1, s1  }
0x8c: {  	s17 =	sshll.u32 s0, $0xA;
	s2 =	sadd.s32 s3, s2  }
0x8d: {  	s2 =	sadd.s32 s2, s17  }
0x8e: {  	[smem:$0x3FC2] =	sst s2  }
0x8f: {  	_ = 	snop  }
0x90: {  	s2 =	sld [smem:$0x3FC9];
	(tm) =	ssettm $0x1  }
0x91: {  	s18 =	sld [smem:$0x3FFB];
	_ =	sdelay $0x3  }
0x92: {  	_ =	strace s18  }
0x93: {  	s3 =	sld [smem:$0x3FFC];
	_ =	sdelay $0x3  }
0x94: {  	_ =	strace s3  }
0x95: {  	s3 =	sld [smem:$0x3FFD];
	_ =	sdelay $0x3  }
0x96: {  	_ =	strace s3  }
0x97: {  	_ =	strace $0x8FFFFFFF  }
0x98: {  	s19 =	sld [smem:$0x3FDB];
	_ =	sdelay $0x1  }
0x99: {  	s4 =	simm.s32 $_scs_section_size  }
0x9a: {  	s5 =	simm.s32 $_size__tile_overlayer_lowered;
	s6 =	simm.s32 $_tile_overlayer_lowered  }
0x9b: {  	s22 =	simm.s32 $0x1BFF;
	s21 =	sshll.u32 s6, $0x1;
	s3 =	sadd.s32 s4, s19  }
0x9c: {  	s7 =	simm.s32 $0x0;
	s20 =	sshll.u32 s5, $0x1;
	s5 =	sadd.s32 s21, s3  }
0x9d: {  	[timem:s7], [sflag:s22] =	dma.local [hbm:s5], s20  }
0x9e: {  	_ =	swait.ge [sflag:s22], s20  }
0x9f: {  	s4 =	ssub.s32 $0x0, s20;
	[sflag:s22] =	ssyncset.done $0x0  }
0xa0: {  	[sflag:s22] =	ssyncadd.s32 s4;
	_ =	sdelay $0x1  }
0xa1: {  	s23 =	simm.s32 $0x1B8B  }
0xa2: {  	_ =	swait.ge [sflag:s23], $0x1  }
0xa3: {  	[sflag:s23] =	ssyncset.done $0x0  }
0xa4: {  	s25 =	simm.s32 $0x1B8E;
	s24 =	sld [smem:$0x3FFE];
	[sflag:s23] =	ssyncadd.s32 $0xFFFFFFFF  }
0xa5: {  	s26 =	simm.s32 $execute0_lowered;
	[smem:$0x3FD2] =	sst s25  }
0xa6: {  	s5 =	sshll.u32 s26, $0x1;
	_ =	strace $0x80000046;
	[dreg:$0x1] =	wrdreg $0xFFFFFFFF  }
0xa7: {  	s28 =	simm.s32 $_size_execute0_lowered;
	s3 =	sadd.s32 s3, s5;
	[dreg:$0x0] =	wrdreg $0x0  }
0xa8: {  	s5 =	sshll.u32 s28, $0x1;
	[dreg:$0x2] =	wrdreg s3  }
0xa9: {  	[dreg:$0x3] =	wrdreg s5  }
0xaa: {  	[dreg:$0x4] =	wrdreg $0xC0  }
0xab: {  	_ =	task [dreg:s7], $0x5FFFF  }
0xac: {  	[dreg:$0x1] =	wrdreg $0xFFFFFFFF  }
0xad: {  	[dreg:$0x0] =	wrdreg $0x60  }
0xae: {  	[dreg:$0x2] =	wrdreg s2  }
0xaf: {  	[dreg:$0x3] =	wrdreg s24  }
0xb0: {  	[dreg:$0x4] =	wrdreg $0x2800  }
0xb1: {  	[dreg:$0x5] =	wrdreg $0x9  }
0xb2: {  	_ =	task.clear_ibuf [dreg:s7], $0x6FFFF;
	_ =	strace $0x90000046  }
0xb3: {  	s29 =	simm.s32 $0x9;
	_ =	strace $0x80000048  }
0xb4: {  	_ =	swait.ge [sflag:s29], $0x1  }
0xb5: {  	[sflag:s29] =	ssyncadd.s32 $0xFFFFFFFF  }
0xb6: {  	_ =	strace $0x90000048  }
0xb7: {  	_ =	sfence  }
0xb8: {  	s30 =	sld [smem:$0x0];
	_ =	sdelay $0x2  }
0xb9: {  	s31 =	sshll.u32 s1, $0xD;
	s1 =	sshrl.u32 s1, $0x2  }
0xba: {  	s3 =	sand.u32 $0x4000, s31;
	s1 =	sadd.s32 s1, s30  }
0xbb: {  	s0 =	sor.u32 s3, s0;
	s1 =	sshll.u32 s1, $0x11  }
0xbc: {  	s0 =	sor.u32 s1, s0  }
0xbd: {  	s0 =	sadd.s32 $0x8F2B, s0  }
0xbe: {  	[sflag:s0] =	ssyncadd.remote.s32 $0x1  }
0xbf: {  	_ =	sfence.sel $0xFFFF  }
0xc0: {  	[dreg:$0x0] =	wrdreg $0xFFFFFFFF;
	(pc) =	sbr.abs _section_cstart, $3  }
0xc1: {  	[dreg:$0x1] =	wrdreg $0xFFFFFFFF  }
0xc2: {  	_ =	task.clear_ibuf [dreg:s7], $0x2FFFF;
	_ =	strace $0x9FFFFFFF  }
0xc3: {  	(tm) =	ssettm $0x7FFFFFFF  }
tec
execute0_lowered:
.L_overlay_start_1:
0x0: {  	(tag) =	ssettag $0x1  }
0x1: {  	s3 =	rddreg [dreg:$0x0]  }
0x2: {  	s9 =	rddreg [dreg:$0x1]  }
0x3: {  	s1 =	rddreg [dreg:$0x2];
	s2 =	srdreg.scid  }
0x4: {  	s0 =	rddreg [dreg:$0x3];
	s14 =	sand.u32 $0x1, s2  }
0x5: {  	s15 =	stileid.u32;
	s2 =	simm.s32 $0x0;
	s4 =	sshll.u32 s14, $0x6  }
0x6: {  	s5 =	sshll.u32 s15, $0x7;
	[smem:$0x7FF] =	sst s2;
	s3 =	sadd.s32 s3, s4  }
0x7: {  	_ =	strace $0x80000047;
	s4 =	simm.s32 $0x1;
	s3 =	sadd.s32 s5, s3  }
0x8: {  	[tilespmem:s2], [sflag:$0x1] =	stream.linear.gather [hbm4b:s3+s2], $0x200, $0x38;
	[tilespmem:$0xF6A8] =	vst v63  }
0x9: {  	_ =	swait.ge [sflag:s4], $0x200  }
0xa: {  	[sflag:s4] =	ssyncset.done $0x0  }
0xb: {  	v0 =	vimm.f32 $1.000000000e+00;
	[sflag:s4] =	ssyncadd.s32 $0xFFFFFE00  }
0xc: {  	[tilespmem:$0x270] =	vst v0  }
0xd: {  	[tilespmem:$0x260] =	vst v0  }
0xe: {  	[tilespmem:$0x250] =	vst v0  }
0xf: {  	[tilespmem:$0x240] =	vst v0  }
0x10: {  	[tilespmem:$0x230] =	vst v0  }
0x11: {  	p0 =	sne.s32 s15, $0x0;
	[tilespmem:$0x220] =	vst v0  }
0x12: {  	s6 =	sshrl.u32 @!p0 s1, $0x3;
	[tilespmem:$0x200] =	vst v0  }
0x13: {  	s7 =	simm.s32 @!p0 $0x1C01;
	s8 =	simm.s32 @!p0 $0x1;
	s5 =	sadd.s32 $0xE00, s9;
	[tilespmem:$0x210] =	vst v0  }
0x14: {  	[spmem:s6], [sflag:s7] =	dma.local @!p0 [hbm:s5], $0x1E850  }
0x15: {  	_ =	swait.ge @!p0 [sflag:s8], $0x1E850  }
0x16: {  	[sflag:s8] =	ssyncset.done @!p0 $0x0  }
0x17: {  	[sflag:s8] =	ssyncadd.s32 @!p0 $0xFFFE17B0  }
0x18: {  	s10 =	simm.s32 $0x80;
	s11 =	simm.s32 $0x200;
	[bflag:$0x0] =	sbarrier.arrive $0xFFFF  }
0x19: {  	[spmem:s1] =	stream.indirect.scatter.add.f32 [tilespmem:s11], [sflag:$0x1], $0x1, s2, s10, $0xb8;
	[tilespmem:$0xF6A8] =	vst v63  }
0x1a: {  	_ =	swait.ge [sflag:s4], $0x80  }
0x1b: {  	[sflag:s4] =	ssyncset.done $0x0  }
0x1c: {  	s13 =	simm.s32 $0x100;
	[sflag:s4] =	ssyncadd.s32 $0xFFFFFF80  }
0x1d: {  	[spmem:s1] =	stream.indirect.scatter.add.f32 [tilespmem:s11], [sflag:$0x1], $0x1, s10, s10, $0xb8;
	[tilespmem:$0xF6A8] =	vst v63  }
0x1e: {  	p1 =	seq.s32 s15, $0x0;
	s16 =	ssub.s32 $0x2, s14;
	_ =	swait.ge [sflag:s4], $0x80  }
0x1f: {  	p2 =	seq.s32 s14, $0x1;
	s17 =	sshrl.u32 s16, $0x1;
	[sflag:s4] =	ssyncset.done $0x0  }
0x20: {  	s14 =	sor.u32 s14, s15;
	s16 =	ssub.s32 s16, s17;
	[sflag:s4] =	ssyncadd.s32 $0xFFFFFF80  }
0x21: {  	[spmem:s1] =	stream.indirect.scatter.add.f32 [tilespmem:s11], [sflag:$0x1], $0x1, s13, s10, $0xb8;
	[tilespmem:$0xF6A8] =	vst v63  }
0x22: {  	p1 =	por !p1, !p2;
	s16 =	smax.u32 s16, $0x1;
	_ =	swait.ge [sflag:s4], $0x80  }
0x23: {  	p2 =	sne.s32 s14, $0x0;
	s19 =	sadd.s32 $0xFFFFFFFF, s16;
	[sflag:s4] =	ssyncset.done $0x0  }
0x24: {  	s14 =	simm.s32 $0x180;
	p3 =	sne.s32 s19, $0x0;
	[sflag:s4] =	ssyncadd.s32 $0xFFFFFF80  }
0x25: {  	[spmem:s1] =	stream.indirect.scatter.add.f32 [tilespmem:s11], [sflag:$0x1], $0x1, s14, s10, $0xb8;
	[tilespmem:$0xF6A8] =	vst v63  }
.Ltmp0:
0x26: {  	_ =	swait.ge [sflag:s4], $0x80;
	(pc) =	sbr.rel @!p3 .LBB2_2-.Ltmp0, $4  }
0x27: {  	s12 =	sadd.s32 $0x1F800, s9;
	[sflag:s4] =	ssyncset.done $0x0  }
0x28: {  	s9 =	sadd.s32 $0x3E200, s9;
	p1 =	por !p1, !p1;
	[sflag:s4] =	ssyncadd.s32 $0xFFFFFF80  }
0x29: {  	s15 =	sshll.u32 @!p2 s15, $0x6;
	s17 =	sshrl.u32 @!p2 s1, $0x3;
	[bflag:$0x0] =	sbarrier.arrive $0xFFFF  }
0x2a: {  	s18 =	simm.s32 @!p2 $0x1;
	s15 =	sor.u32 @!p2 $0x1C01, s15;
	s16 =	sshrl.u32 @p1 s1, $0x3  }
.LBB2_1:
0x2b: {  	[hbm:s12], [sflag:s15] =	dma.local @!p2 [spmem:s17], $0x1E850  }
0x2c: {  	s19 =	sadd.s32 $0xFFFFFFFF, s19;
	_ =	swait.ge @!p2 [sflag:s18], $0x1E850  }
0x2d: {  	s20 =	simm.s32 @p1 $0x1C01;
	p3 =	sne.s32 s19, $0x0;
	[sflag:s18] =	ssyncset.done @!p2 $0x0  }
0x2e: {  	s21 =	simm.s32 @p1 $0x1;
	[sflag:s18] =	ssyncadd.s32 @!p2 $0xFFFE17B0  }
0x2f: {  	[hbm:s9], [sflag:s20] =	dma.local @p1 [spmem:s16], $0x1E850  }
0x30: {  	_ =	swait.ge @p1 [sflag:s21], $0x1E850  }
0x31: {  	[sflag:s21] =	ssyncset.done @p1 $0x0  }
0x32: {  	[sflag:s21] =	ssyncadd.s32 @p1 $0xFFFE17B0  }
0x33: {  	[tilespmem:s2], [sflag:$0x1] =	stream.linear.gather [hbm4b:s3+s2], $0x200, $0x38;
	[tilespmem:$0xF6A8] =	vst v63  }
0x34: {  	_ =	swait.ge [sflag:s4], $0x200  }
0x35: {  	[sflag:s4] =	ssyncset.done $0x0  }
0x36: {  	[sflag:s4] =	ssyncadd.s32 $0xFFFFFE00  }
0x37: {  	[tilespmem:$0x270] =	vst v0  }
0x38: {  	[tilespmem:$0x260] =	vst v0  }
0x39: {  	[tilespmem:$0x250] =	vst v0  }
0x3a: {  	[tilespmem:$0x240] =	vst v0  }
0x3b: {  	[tilespmem:$0x230] =	vst v0  }
0x3c: {  	[tilespmem:$0x220] =	vst v0  }
0x3d: {  	[tilespmem:$0x200] =	vst v0  }
0x3e: {  	[tilespmem:$0x210] =	vst v0  }
0x3f: {  	[spmem:s6], [sflag:s7] =	dma.local @!p0 [hbm:s5], $0x1E850  }
0x40: {  	_ =	swait.ge @!p0 [sflag:s8], $0x1E850  }
0x41: {  	[sflag:s8] =	ssyncset.done @!p0 $0x0  }
0x42: {  	[sflag:s8] =	ssyncadd.s32 @!p0 $0xFFFE17B0  }
0x43: {  	[bflag:$0x0] =	sbarrier.arrive $0xFFFF  }
0x44: {  	[spmem:s1] =	stream.indirect.scatter.add.f32 [tilespmem:s11], [sflag:$0x1], $0x1, s2, s10, $0xb8;
	[tilespmem:$0xF6A8] =	vst v63  }
0x45: {  	_ =	swait.ge [sflag:s4], $0x80  }
0x46: {  	[sflag:s4] =	ssyncset.done $0x0  }
0x47: {  	[sflag:s4] =	ssyncadd.s32 $0xFFFFFF80  }
0x48: {  	[spmem:s1] =	stream.indirect.scatter.add.f32 [tilespmem:s11], [sflag:$0x1], $0x1, s10, s10, $0xb8;
	[tilespmem:$0xF6A8] =	vst v63  }
0x49: {  	_ =	swait.ge [sflag:s4], $0x80  }
0x4a: {  	[sflag:s4] =	ssyncset.done $0x0  }
0x4b: {  	[sflag:s4] =	ssyncadd.s32 $0xFFFFFF80  }
0x4c: {  	[spmem:s1] =	stream.indirect.scatter.add.f32 [tilespmem:s11], [sflag:$0x1], $0x1, s13, s10, $0xb8;
	[tilespmem:$0xF6A8] =	vst v63  }
0x4d: {  	_ =	swait.ge [sflag:s4], $0x80  }
0x4e: {  	[sflag:s4] =	ssyncset.done $0x0  }
0x4f: {  	[sflag:s4] =	ssyncadd.s32 $0xFFFFFF80  }
0x50: {  	[spmem:s1] =	stream.indirect.scatter.add.f32 [tilespmem:s11], [sflag:$0x1], $0x1, s14, s10, $0xb8;
	[tilespmem:$0xF6A8] =	vst v63  }
.Ltmp1:
0x51: {  	_ =	swait.ge [sflag:s4], $0x80;
	(pc) =	sbr.rel @p3 .LBB2_1-.Ltmp1, $3  }
0x52: {  	[sflag:s4] =	ssyncset.done $0x0  }
0x53: {  	[sflag:s4] =	ssyncadd.s32 $0xFFFFFF80  }
0x54: {  	[bflag:$0x0] =	sbarrier.arrive $0xFFFF;
	_ =	sdelay $0x1  }
.LBB2_2:
0x55: {  	[hbm:s12], [sflag:s15] =	dma.local @!p2 [spmem:s17], $0x1E850  }
0x56: {  	_ =	swait.ge @!p2 [sflag:s18], $0x1E850  }
0x57: {  	[sflag:s18] =	ssyncset.done @!p2 $0x0  }
0x58: {  	s1 =	simm.s32 @p1 $0x1C01;
	s2 =	simm.s32 @p1 $0x1;
	[sflag:s18] =	ssyncadd.s32 @!p2 $0xFFFE17B0  }
0x59: {  	[hbm:s9], [sflag:s1] =	dma.local @p1 [spmem:s16], $0x1E850  }
0x5a: {  	_ =	swait.ge @p1 [sflag:s2], $0x1E850  }
0x5b: {  	[sflag:s2] =	ssyncset.done @p1 $0x0  }
0x5c: {  	[sflag:s2] =	ssyncadd.s32 @p1 $0xFFFE17B0  }
0x5d: {  	_ =	sfence.sel $0x180000  }
0x5e: {  	[bflag:$0x0] =	sbarrier.arrive $0xFFFF  }
0x5f: {  	_ =	strace $0x90000047  }
0x60: {  	s0 =	sadd.s32 @!p0 $0x100000, s0;
	[bflag:$0x2] =	sbarrier.arrive $0xFFFF  }
0x61: {  	[sflag:s0] =	ssyncadd.tile.s32 @!p0 $0x1;
	_ =	shalt  }
.Lfunc_end2:
_tile_overlayer_lowered:
.L_overlay_start_2:
0x62: {  	(tag) =	ssettag $0x2  }
0x63: {  	s0 =	rddreg [dreg:$0x0];
	s2 =	stileid.u32  }
0x64: {  	s1 =	rddreg [dreg:$0x1];
	p0 =	sne.s32 s2, $0x0  }
0x65: {  	s3 =	rddreg [dreg:$0x2];
	[bflag:$0x3] =	sbarrier.arrive $0xFFFF;
	s2 =	simm.s32 @!p0 $0x1C01  }
0x66: {  	[timem:s3], [sflag:s2] =	dma.local @!p0 [hbm:s0], s1  }
0x67: {  	s0 =	simm.s32 @!p0 $0x1  }
0x68: {  	_ =	swait.ge @!p0 [sflag:s0], s1  }
0x69: {  	s1 =	ssub.s32 @!p0 $0x0, s1;
	[sflag:s0] =	ssyncset.done @!p0 $0x0  }
0x6a: {  	[sflag:s0] =	ssyncadd.s32 @!p0 s1  }
0x6b: {  	[bflag:$0x3] =	sbarrier.arrive $0xFFFF  }
0x6c: {  	_ =	shalt  }

</sc_bundles>
